<compile_context>
chip_gen: v7x
topology: tpu7x:2x2x1
jax: 0.10.2.dev20260603
libtpu: 0.0.44.dev20260713+nightly
codegen_flags: <defaults>
</compile_context>

<pallas_src>
import functools

import jax
import jax.numpy as jnp
from jax import lax
from jax.experimental import pallas as pl
from jax.experimental.pallas import tpu as pltpu
from jax.experimental.pallas import tpu_sc as plsc

N = 100000
C = 1000
B = 4096
TAU = 0.3

_NC, _NS = 2, 16
_NW = _NC * _NS
_RPT = B // _NW
_G = 64


def _sc_gather_body(table_hbm, index_hbm, idxrp_hbm, t1_hbm, t2_hbm,
                    idx_all_v, idxrp_v, idx2_v, rows_v, sem):
    wid = lax.axis_index("s") * _NC + lax.axis_index("c")
    base = wid * _RPT
    pltpu.sync_copy(index_hbm, idx_all_v)
    pltpu.sync_copy(idxrp_hbm.at[pl.ds(base, _RPT)], idxrp_v)
    pltpu.async_copy(index_hbm.at[idxrp_v], idx2_v, sem).wait()
    for g in range(_RPT // _G):
        pltpu.async_copy(
            table_hbm.at[idx_all_v.at[pl.ds(base + g * _G, _G)]],
            rows_v, sem).wait()
        pltpu.sync_copy(rows_v, t1_hbm.at[pl.ds(base + g * _G, _G)])
    for g in range(_RPT // _G):
        pltpu.async_copy(
            table_hbm.at[idx2_v.at[pl.ds(g * _G, _G)]],
            rows_v, sem).wait()
        pltpu.sync_copy(rows_v, t2_hbm.at[pl.ds(base + g * _G, _G)])


def _sc_gather(table, index, idx_rp):
    run = pl.kernel(
        _sc_gather_body,
        mesh=plsc.VectorSubcoreMesh(core_axis_name="c", subcore_axis_name="s"),
        compiler_params=pltpu.CompilerParams(use_tc_tiling_on_sc=False),
        out_type=[jax.ShapeDtypeStruct((B, C), jnp.float32),
                  jax.ShapeDtypeStruct((B, C), jnp.float32)],
        scratch_types=[
            pltpu.VMEM((B,), jnp.int32),
            pltpu.VMEM((_RPT,), jnp.int32),
            pltpu.VMEM((_RPT,), jnp.int32),
            pltpu.VMEM((_G, C), jnp.float32),
            pltpu.SemaphoreType.DMA,
        ],
    )
    return run(table, index, idx_rp)


_BLK = 256
_GRID = B // _BLK


def _tc_body(cls_ref, q1_ref, q2_ref, t1_ref, t2_ref, out_ref):
    i = pl.program_id(0)
    x = cls_ref[...]
    m = jnp.max(x, axis=1, keepdims=True)
    ls = (x - m) - jnp.log(jnp.sum(jnp.exp(x - m), axis=1, keepdims=True))
    y1 = q1_ref[...] * (1.0 / TAU)
    m1 = jnp.max(y1, axis=1, keepdims=True)
    lq1 = (y1 - m1) - jnp.log(jnp.sum(jnp.exp(y1 - m1), axis=1, keepdims=True))
    y2 = q2_ref[...] * (1.0 / TAU)
    m2 = jnp.max(y2, axis=1, keepdims=True)
    lq2 = (y2 - m2) - jnp.log(jnp.sum(jnp.exp(y2 - m2), axis=1, keepdims=True))
    q = lq1 + lq2
    t1 = t1_ref[...]
    t2 = t2_ref[...]
    lt1 = jnp.log(jnp.where(t1 > 0, t1, 1.0))
    lt2 = jnp.log(jnp.where(t2 > 0, t2, 1.0))
    a = jnp.sum(t1 * ls)
    p = jnp.sum(t1 * q)
    r = jnp.sum(t2 * q)
    h1 = jnp.sum(t1 * lt1)
    h2 = jnp.sum(t2 * lt2)
    lane = lax.broadcasted_iota(jnp.int32, (1, 128), 1)
    vec = (jnp.where(lane == 0, a, 0.0) + jnp.where(lane == 1, p, 0.0)
           + jnp.where(lane == 2, r, 0.0) + jnp.where(lane == 3, h1, 0.0)
           + jnp.where(lane == 4, h2, 0.0))

    @pl.when(i == 0)
    def _():
        out_ref[...] = jnp.zeros_like(out_ref)

    out_ref[...] += vec


def _tc_reduce(cls_out1, lpm1, lpm2, t1, t2):
    return pl.pallas_call(
        _tc_body,
        grid=(_GRID,),
        in_specs=[pl.BlockSpec((_BLK, C), lambda i: (i, 0))] * 5,
        out_specs=pl.BlockSpec((1, 128), lambda i: (0, 0)),
        out_shape=jax.ShapeDtypeStruct((1, 128), jnp.float32),
    )(cls_out1, lpm1, lpm2, t1, t2)


def kernel(predicted_score_cls, cls_out1, cls_out2, logits_prot1,
           logits_prot2, logits_prot_1_mix, logits_prot_2_mix, idx_rp,
           Lambda, index):
    index = index.astype(jnp.int32)
    idx_rp = idx_rp.astype(jnp.int32)
    t1, t2 = _sc_gather(predicted_score_cls, index, idx_rp)
    scal = _tc_reduce(cls_out1, logits_prot_1_mix, logits_prot_2_mix, t1, t2)
    a, p, r, h1, h2 = scal[0, 0], scal[0, 1], scal[0, 2], scal[0, 3], scal[0, 4]
    bf = jnp.float32(B)
    lam = Lambda.astype(jnp.float32)
    cls_loss_1 = -a / bf
    sim_loss_2 = (2.0 * lam * h1 + 2.0 * (1.0 - lam) * h2
                  - lam * p - (1.0 - lam) * r) / bf
    return (cls_loss_1, sim_loss_2, jnp.float32(1.0))

# --- scband reference (transcript-rebuilt; emitter-appended) ---
"""Pipeline reference for scband-pa-pi-loss-33182917329554 (READ-ONLY COPY).

The authoritative reference and input builder live on the scoring server;
editing this copy changes nothing except your own understanding.
"""

import jax, jax.numpy as jnp
import numpy as np

N = 100000
C = 1000
B = 4096
TAU_PROTO = 0.3
ALPHA = 1.0


def _kl_batchmean(log_q, p):
    # faithful to torch.nn.KLDivLoss(reduction='batchmean') with log-input
    t = jnp.where(p > 0, p * (jnp.log(jnp.where(p > 0, p, 1.0)) - log_q), 0.0)
    return t.sum() / p.shape[0]


def setup_inputs(seed: int = 0) -> dict:
    key = jax.random.key(seed)
    ks = jax.random.split(key, 10)
    table = jax.random.uniform(ks[0], (N, C), dtype=jnp.float32) + 1e-3
    table = table / table.sum(axis=1, keepdims=True)  # soft pseudo-label bank (rows are distributions)
    return {
        "predicted_score_cls": table,
        "cls_out1": jax.random.normal(ks[1], (B, C), dtype=jnp.float32),
        "cls_out2": jax.random.normal(ks[2], (B, C), dtype=jnp.float32),
        "logits_prot1": jax.random.normal(ks[3], (B, C), dtype=jnp.float32),
        "logits_prot2": jax.random.normal(ks[4], (B, C), dtype=jnp.float32),
        "logits_prot_1_mix": jax.random.normal(ks[5], (B, C), dtype=jnp.float32),
        "logits_prot_2_mix": jax.random.normal(ks[6], (B, C), dtype=jnp.float32),
        "idx_rp": jax.random.randint(ks[7], (B,), 0, B, dtype=jnp.int64) if jax.config.jax_enable_x64 else jax.random.randint(ks[7], (B,), 0, B, dtype=jnp.int32),
        "Lambda": jnp.float32(0.5),
        "index": jax.random.randint(ks[8], (B,), 0, N, dtype=jnp.int64) if jax.config.jax_enable_x64 else jax.random.randint(ks[8], (B,), 0, N, dtype=jnp.int32),
    }


def reference(predicted_score_cls, cls_out1, cls_out2, logits_prot1, logits_prot2,
              logits_prot_1_mix, logits_prot_2_mix, idx_rp, Lambda, index):
    y_pred_1_probas = jax.nn.softmax(cls_out1, axis=1)
    prot_pred_1_mix_probas_log = jax.nn.log_softmax(logits_prot_1_mix / TAU_PROTO, axis=1)
    prot_pred_2_mix_probas_log = jax.nn.log_softmax(logits_prot_2_mix / TAU_PROTO, axis=1)
    # gather soft targets from the dataset-wide pseudo-label memory bank
    t1 = jax.lax.stop_gradient(jnp.take(predicted_score_cls, index, axis=0))
    t1_rp = jax.lax.stop_gradient(jnp.take(predicted_score_cls, jnp.take(index, idx_rp, axis=0), axis=0))
    cls_loss_all_1 = t1 * jnp.log(y_pred_1_probas)
    cls_loss_1 = -cls_loss_all_1.sum(axis=1).mean()
    sim_loss_2_1 = Lambda * _kl_batchmean(prot_pred_1_mix_probas_log, t1) + (1 - Lambda) * _kl_batchmean(prot_pred_1_mix_probas_log, t1_rp)
    sim_loss_2_2 = Lambda * _kl_batchmean(prot_pred_2_mix_probas_log, t1) + (1 - Lambda) * _kl_batchmean(prot_pred_2_mix_probas_log, t1_rp)
    sim_loss_2 = sim_loss_2_1 + sim_loss_2_2
    return (cls_loss_1, sim_loss_2, jnp.float32(ALPHA))

if __name__ == "__main__":
    import jax
    _d = setup_inputs()
    print(jax.jit(kernel)(*tuple(_d.values())))

</pallas_src>

<mosaic_0001>
#map = affine_map<(d0, d1) -> (0, 0)>
#map1 = affine_map<(d0, d1) -> (0)>
module attributes {stable_mosaic.version = 14 : i64} {
  func.func @_sc_gather_body(%arg0: i32, %arg1: i32, %arg2: memref<100000x1000xf32, #tpu.memory_space<hbm>>, %arg3: memref<4096xi32, #tpu.memory_space<hbm>>, %arg4: memref<4096xi32, #tpu.memory_space<hbm>>, %arg5: memref<4096x1000xf32, #tpu.memory_space<hbm>>, %arg6: memref<4096x1000xf32, #tpu.memory_space<hbm>>, %arg7: memref<4096xi32, #tpu.memory_space<vmem>>, %arg8: memref<128xi32, #tpu.memory_space<vmem>>, %arg9: memref<128xi32, #tpu.memory_space<vmem>>, %arg10: memref<64x1000xf32, #tpu.memory_space<vmem>>, %arg11: memref<!tpu.dma_semaphore, #tpu.memory_space<semaphore_mem>>) attributes {dimension_semantics = [#tpu.dimension_semantics<core_parallel>, #tpu.dimension_semantics<subcore_parallel>], iteration_bounds = array<i64: 2, 16>, scalar_prefetch = 0 : i64, scratch_operands = 5 : i64, tpu.core_type = #tpu.core_type<sc_vector_subcore>, window_params = [{transform_indices = #map}, {transform_indices = #map1}, {transform_indices = #map1}, {transform_indices = #map}, {transform_indices = #map}]} {
    %mul3A = arith.constant 2 : i32
    %mul3A_0 = arith.muli %arg1, %mul3A : i32
    %add3A = arith.addi %mul3A_0, %arg0 : i32
    %mul3A_1 = arith.constant 128 : i32
    %mul3A_2 = arith.muli %add3A, %mul3A_1 : i32
    "tpu.region"() ({
      %run_scoped3A = tpu.sem_alloc : memref<!tpu.dma_semaphore, #tpu.memory_space<semaphore_mem>>
      tpu.enqueue_dma source(%arg3 : memref<4096xi32, #tpu.memory_space<hbm>>) target(%arg7 : memref<4096xi32, #tpu.memory_space<vmem>>) target_semaphore(%run_scoped3A : memref<!tpu.dma_semaphore, #tpu.memory_space<semaphore_mem>>)
      tpu.wait_dma2 semaphore(%run_scoped3A : memref<!tpu.dma_semaphore, #tpu.memory_space<semaphore_mem>>) src(%arg3 : memref<4096xi32, #tpu.memory_space<hbm>>) dst(%arg7 : memref<4096xi32, #tpu.memory_space<vmem>>)
      tpu.yield
    }) : () -> ()
    "tpu.region"() ({
      %run_scoped3A = tpu.sem_alloc : memref<!tpu.dma_semaphore, #tpu.memory_space<semaphore_mem>>
      %dma_start3A_53 = tpu.memref_slice %arg4[%mul3A_2] : memref<4096xi32, #tpu.memory_space<hbm>> -> memref<128xi32, #tpu.memory_space<hbm>>
      %dma_start3A_54 = tpu.memref_slice %arg4[%mul3A_2] : memref<4096xi32, #tpu.memory_space<hbm>> -> memref<128xi32, #tpu.memory_space<hbm>>
      tpu.enqueue_dma source(%dma_start3A_54 : memref<128xi32, #tpu.memory_space<hbm>>) target(%arg8 : memref<128xi32, #tpu.memory_space<vmem>>) target_semaphore(%run_scoped3A : memref<!tpu.dma_semaphore, #tpu.memory_space<semaphore_mem>>)
      %dma_wait3A_55 = tpu.memref_slice %arg4[%mul3A_2] : memref<4096xi32, #tpu.memory_space<hbm>> -> memref<128xi32, #tpu.memory_space<hbm>>
      %dma_wait3A_56 = tpu.memref_slice %arg4[%mul3A_2] : memref<4096xi32, #tpu.memory_space<hbm>> -> memref<128xi32, #tpu.memory_space<hbm>>
      tpu.wait_dma2 semaphore(%run_scoped3A : memref<!tpu.dma_semaphore, #tpu.memory_space<semaphore_mem>>) src(%dma_wait3A_56 : memref<128xi32, #tpu.memory_space<hbm>>) dst(%arg8 : memref<128xi32, #tpu.memory_space<vmem>>)
      tpu.yield
    }) : () -> ()
    %dma_start3A = arith.constant 0 : i32
    %dma_start3A_3 = tpu.memref_slice %arg3[%dma_start3A] : memref<4096xi32, #tpu.memory_space<hbm>> -> memref<4096xi32, #tpu.memory_space<hbm>>
    tpu.enqueue_indirect_dma source(%dma_start3A_3 : memref<4096xi32, #tpu.memory_space<hbm>>) target(%arg9 : memref<128xi32, #tpu.memory_space<vmem>>) offsets(%arg8 : memref<128xi32, #tpu.memory_space<vmem>>) semaphore(%arg11 : memref<!tpu.dma_semaphore, #tpu.memory_space<semaphore_mem>>)
    %dma_wait3A = arith.constant 0 : i32
    %dma_wait3A_4 = tpu.memref_slice %arg3[%dma_wait3A] : memref<4096xi32, #tpu.memory_space<hbm>> -> memref<4096xi32, #tpu.memory_space<hbm>>
    tpu.wait_indirect_dma semaphore(%arg11 : memref<!tpu.dma_semaphore, #tpu.memory_space<semaphore_mem>>) src(%dma_wait3A_4 : memref<4096xi32, #tpu.memory_space<hbm>>) dst(%arg9 : memref<128xi32, #tpu.memory_space<vmem>>)
    %add3A_5 = arith.constant 0 : i32
    %add3A_6 = arith.addi %mul3A_2, %add3A_5 : i32
    %dma_start3A_7 = tpu.memref_slice %arg7[%add3A_6] : memref<4096xi32, #tpu.memory_space<vmem>> -> memref<64xi32, #tpu.memory_space<vmem>>
    %dma_start3A_8 = arith.constant 0 : i32
    %dma_start3A_9 = arith.constant 0 : i32
    %dma_start3A_10 = tpu.memref_slice %arg2[%dma_start3A_8, %dma_start3A_9] : memref<100000x1000xf32, #tpu.memory_space<hbm>> -> memref<100000x1000xf32, #tpu.memory_space<hbm>>
    tpu.enqueue_indirect_dma source(%dma_start3A_10 : memref<100000x1000xf32, #tpu.memory_space<hbm>>) target(%arg10 : memref<64x1000xf32, #tpu.memory_space<vmem>>) offsets(%dma_start3A_7 : memref<64xi32, #tpu.memory_space<vmem>>) semaphore(%arg11 : memref<!tpu.dma_semaphore, #tpu.memory_space<semaphore_mem>>)
    %dma_wait3A_11 = tpu.memref_slice %arg7[%add3A_6] : memref<4096xi32, #tpu.memory_space<vmem>> -> memref<64xi32, #tpu.memory_space<vmem>>
    %dma_wait3A_12 = arith.constant 0 : i32
    %dma_wait3A_13 = arith.constant 0 : i32
    %dma_wait3A_14 = tpu.memref_slice %arg2[%dma_wait3A_12, %dma_wait3A_13] : memref<100000x1000xf32, #tpu.memory_space<hbm>> -> memref<100000x1000xf32, #tpu.memory_space<hbm>>
    tpu.wait_indirect_dma semaphore(%arg11 : memref<!tpu.dma_semaphore, #tpu.memory_space<semaphore_mem>>) src(%dma_wait3A_14 : memref<100000x1000xf32, #tpu.memory_space<hbm>>) dst(%arg10 : memref<64x1000xf32, #tpu.memory_space<vmem>>)
    %add3A_15 = arith.constant 0 : i32
    %add3A_16 = arith.addi %mul3A_2, %add3A_15 : i32
    "tpu.region"() ({
      %run_scoped3A = tpu.sem_alloc : memref<!tpu.dma_semaphore, #tpu.memory_space<semaphore_mem>>
      %dma_start3A_53 = arith.constant 0 : i32
      %dma_start3A_54 = tpu.memref_slice %arg5[%add3A_16, %dma_start3A_53] : memref<4096x1000xf32, #tpu.memory_space<hbm>> -> memref<64x1000xf32, #tpu.memory_space<hbm>>
      %dma_start3A_55 = arith.constant 0 : i32
      %dma_start3A_56 = tpu.memref_slice %arg5[%add3A_16, %dma_start3A_55] : memref<4096x1000xf32, #tpu.memory_space<hbm>> -> memref<64x1000xf32, #tpu.memory_space<hbm>>
      tpu.enqueue_dma source(%arg10 : memref<64x1000xf32, #tpu.memory_space<vmem>>) target(%dma_start3A_56 : memref<64x1000xf32, #tpu.memory_space<hbm>>) target_semaphore(%run_scoped3A : memref<!tpu.dma_semaphore, #tpu.memory_space<semaphore_mem>>)
      %dma_wait3A_57 = arith.constant 0 : i32
      %dma_wait3A_58 = tpu.memref_slice %arg5[%add3A_16, %dma_wait3A_57] : memref<4096x1000xf32, #tpu.memory_space<hbm>> -> memref<64x1000xf32, #tpu.memory_space<hbm>>
      %dma_wait3A_59 = arith.constant 0 : i32
      %dma_wait3A_60 = tpu.memref_slice %arg5[%add3A_16, %dma_wait3A_59] : memref<4096x1000xf32, #tpu.memory_space<hbm>> -> memref<64x1000xf32, #tpu.memory_space<hbm>>
      tpu.wait_dma2 semaphore(%run_scoped3A : memref<!tpu.dma_semaphore, #tpu.memory_space<semaphore_mem>>) src(%arg10 : memref<64x1000xf32, #tpu.memory_space<vmem>>) dst(%dma_wait3A_60 : memref<64x1000xf32, #tpu.memory_space<hbm>>)
      tpu.yield
    }) : () -> ()
    %add3A_17 = arith.constant 64 : i32
    %add3A_18 = arith.addi %mul3A_2, %add3A_17 : i32
    %dma_start3A_19 = tpu.memref_slice %arg7[%add3A_18] : memref<4096xi32, #tpu.memory_space<vmem>> -> memref<64xi32, #tpu.memory_space<vmem>>
    %dma_start3A_20 = arith.constant 0 : i32
    %dma_start3A_21 = arith.constant 0 : i32
    %dma_start3A_22 = tpu.memref_slice %arg2[%dma_start3A_20, %dma_start3A_21] : memref<100000x1000xf32, #tpu.memory_space<hbm>> -> memref<100000x1000xf32, #tpu.memory_space<hbm>>
    tpu.enqueue_indirect_dma source(%dma_start3A_22 : memref<100000x1000xf32, #tpu.memory_space<hbm>>) target(%arg10 : memref<64x1000xf32, #tpu.memory_space<vmem>>) offsets(%dma_start3A_19 : memref<64xi32, #tpu.memory_space<vmem>>) semaphore(%arg11 : memref<!tpu.dma_semaphore, #tpu.memory_space<semaphore_mem>>)
    %dma_wait3A_23 = tpu.memref_slice %arg7[%add3A_18] : memref<4096xi32, #tpu.memory_space<vmem>> -> memref<64xi32, #tpu.memory_space<vmem>>
    %dma_wait3A_24 = arith.constant 0 : i32
    %dma_wait3A_25 = arith.constant 0 : i32
    %dma_wait3A_26 = tpu.memref_slice %arg2[%dma_wait3A_24, %dma_wait3A_25] : memref<100000x1000xf32, #tpu.memory_space<hbm>> -> memref<100000x1000xf32, #tpu.memory_space<hbm>>
    tpu.wait_indirect_dma semaphore(%arg11 : memref<!tpu.dma_semaphore, #tpu.memory_space<semaphore_mem>>) src(%dma_wait3A_26 : memref<100000x1000xf32, #tpu.memory_space<hbm>>) dst(%arg10 : memref<64x1000xf32, #tpu.memory_space<vmem>>)
    %add3A_27 = arith.constant 64 : i32
    %add3A_28 = arith.addi %mul3A_2, %add3A_27 : i32
    "tpu.region"() ({
      %run_scoped3A = tpu.sem_alloc : memref<!tpu.dma_semaphore, #tpu.memory_space<semaphore_mem>>
      %dma_start3A_53 = arith.constant 0 : i32
      %dma_start3A_54 = tpu.memref_slice %arg5[%add3A_28, %dma_start3A_53] : memref<4096x1000xf32, #tpu.memory_space<hbm>> -> memref<64x1000xf32, #tpu.memory_space<hbm>>
      %dma_start3A_55 = arith.constant 0 : i32
      %dma_start3A_56 = tpu.memref_slice %arg5[%add3A_28, %dma_start3A_55] : memref<4096x1000xf32, #tpu.memory_space<hbm>> -> memref<64x1000xf32, #tpu.memory_space<hbm>>
      tpu.enqueue_dma source(%arg10 : memref<64x1000xf32, #tpu.memory_space<vmem>>) target(%dma_start3A_56 : memref<64x1000xf32, #tpu.memory_space<hbm>>) target_semaphore(%run_scoped3A : memref<!tpu.dma_semaphore, #tpu.memory_space<semaphore_mem>>)
      %dma_wait3A_57 = arith.constant 0 : i32
      %dma_wait3A_58 = tpu.memref_slice %arg5[%add3A_28, %dma_wait3A_57] : memref<4096x1000xf32, #tpu.memory_space<hbm>> -> memref<64x1000xf32, #tpu.memory_space<hbm>>
      %dma_wait3A_59 = arith.constant 0 : i32
      %dma_wait3A_60 = tpu.memref_slice %arg5[%add3A_28, %dma_wait3A_59] : memref<4096x1000xf32, #tpu.memory_space<hbm>> -> memref<64x1000xf32, #tpu.memory_space<hbm>>
      tpu.wait_dma2 semaphore(%run_scoped3A : memref<!tpu.dma_semaphore, #tpu.memory_space<semaphore_mem>>) src(%arg10 : memref<64x1000xf32, #tpu.memory_space<vmem>>) dst(%dma_wait3A_60 : memref<64x1000xf32, #tpu.memory_space<hbm>>)
      tpu.yield
    }) : () -> ()
    %dma_start3A_29 = arith.constant 0 : i32
    %dma_start3A_30 = tpu.memref_slice %arg9[%dma_start3A_29] : memref<128xi32, #tpu.memory_space<vmem>> -> memref<64xi32, #tpu.memory_space<vmem>>
    %dma_start3A_31 = arith.constant 0 : i32
    %dma_start3A_32 = arith.constant 0 : i32
    %dma_start3A_33 = tpu.memref_slice %arg2[%dma_start3A_31, %dma_start3A_32] : memref<100000x1000xf32, #tpu.memory_space<hbm>> -> memref<100000x1000xf32, #tpu.memory_space<hbm>>
    tpu.enqueue_indirect_dma source(%dma_start3A_33 : memref<100000x1000xf32, #tpu.memory_space<hbm>>) target(%arg10 : memref<64x1000xf32, #tpu.memory_space<vmem>>) offsets(%dma_start3A_30 : memref<64xi32, #tpu.memory_space<vmem>>) semaphore(%arg11 : memref<!tpu.dma_semaphore, #tpu.memory_space<semaphore_mem>>)
    %dma_wait3A_34 = arith.constant 0 : i32
    %dma_wait3A_35 = tpu.memref_slice %arg9[%dma_wait3A_34] : memref<128xi32, #tpu.memory_space<vmem>> -> memref<64xi32, #tpu.memory_space<vmem>>
    %dma_wait3A_36 = arith.constant 0 : i32
    %dma_wait3A_37 = arith.constant 0 : i32
    %dma_wait3A_38 = tpu.memref_slice %arg2[%dma_wait3A_36, %dma_wait3A_37] : memref<100000x1000xf32, #tpu.memory_space<hbm>> -> memref<100000x1000xf32, #tpu.memory_space<hbm>>
    tpu.wait_indirect_dma semaphore(%arg11 : memref<!tpu.dma_semaphore, #tpu.memory_space<semaphore_mem>>) src(%dma_wait3A_38 : memref<100000x1000xf32, #tpu.memory_space<hbm>>) dst(%arg10 : memref<64x1000xf32, #tpu.memory_space<vmem>>)
    %add3A_39 = arith.constant 0 : i32
    %add3A_40 = arith.addi %mul3A_2, %add3A_39 : i32
    "tpu.region"() ({
      %run_scoped3A = tpu.sem_alloc : memref<!tpu.dma_semaphore, #tpu.memory_space<semaphore_mem>>
      %dma_start3A_53 = arith.constant 0 : i32
      %dma_start3A_54 = tpu.memref_slice %arg6[%add3A_40, %dma_start3A_53] : memref<4096x1000xf32, #tpu.memory_space<hbm>> -> memref<64x1000xf32, #tpu.memory_space<hbm>>
      %dma_start3A_55 = arith.constant 0 : i32
      %dma_start3A_56 = tpu.memref_slice %arg6[%add3A_40, %dma_start3A_55] : memref<4096x1000xf32, #tpu.memory_space<hbm>> -> memref<64x1000xf32, #tpu.memory_space<hbm>>
      tpu.enqueue_dma source(%arg10 : memref<64x1000xf32, #tpu.memory_space<vmem>>) target(%dma_start3A_56 : memref<64x1000xf32, #tpu.memory_space<hbm>>) target_semaphore(%run_scoped3A : memref<!tpu.dma_semaphore, #tpu.memory_space<semaphore_mem>>)
      %dma_wait3A_57 = arith.constant 0 : i32
      %dma_wait3A_58 = tpu.memref_slice %arg6[%add3A_40, %dma_wait3A_57] : memref<4096x1000xf32, #tpu.memory_space<hbm>> -> memref<64x1000xf32, #tpu.memory_space<hbm>>
      %dma_wait3A_59 = arith.constant 0 : i32
      %dma_wait3A_60 = tpu.memref_slice %arg6[%add3A_40, %dma_wait3A_59] : memref<4096x1000xf32, #tpu.memory_space<hbm>> -> memref<64x1000xf32, #tpu.memory_space<hbm>>
      tpu.wait_dma2 semaphore(%run_scoped3A : memref<!tpu.dma_semaphore, #tpu.memory_space<semaphore_mem>>) src(%arg10 : memref<64x1000xf32, #tpu.memory_space<vmem>>) dst(%dma_wait3A_60 : memref<64x1000xf32, #tpu.memory_space<hbm>>)
      tpu.yield
    }) : () -> ()
    %dma_start3A_41 = arith.constant 64 : i32
    %dma_start3A_42 = tpu.memref_slice %arg9[%dma_start3A_41] : memref<128xi32, #tpu.memory_space<vmem>> -> memref<64xi32, #tpu.memory_space<vmem>>
    %dma_start3A_43 = arith.constant 0 : i32
    %dma_start3A_44 = arith.constant 0 : i32
    %dma_start3A_45 = tpu.memref_slice %arg2[%dma_start3A_43, %dma_start3A_44] : memref<100000x1000xf32, #tpu.memory_space<hbm>> -> memref<100000x1000xf32, #tpu.memory_space<hbm>>
    tpu.enqueue_indirect_dma source(%dma_start3A_45 : memref<100000x1000xf32, #tpu.memory_space<hbm>>) target(%arg10 : memref<64x1000xf32, #tpu.memory_space<vmem>>) offsets(%dma_start3A_42 : memref<64xi32, #tpu.memory_space<vmem>>) semaphore(%arg11 : memref<!tpu.dma_semaphore, #tpu.memory_space<semaphore_mem>>)
    %dma_wait3A_46 = arith.constant 64 : i32
    %dma_wait3A_47 = tpu.memref_slice %arg9[%dma_wait3A_46] : memref<128xi32, #tpu.memory_space<vmem>> -> memref<64xi32, #tpu.memory_space<vmem>>
    %dma_wait3A_48 = arith.constant 0 : i32
    %dma_wait3A_49 = arith.constant 0 : i32
    %dma_wait3A_50 = tpu.memref_slice %arg2[%dma_wait3A_48, %dma_wait3A_49] : memref<100000x1000xf32, #tpu.memory_space<hbm>> -> memref<100000x1000xf32, #tpu.memory_space<hbm>>
    tpu.wait_indirect_dma semaphore(%arg11 : memref<!tpu.dma_semaphore, #tpu.memory_space<semaphore_mem>>) src(%dma_wait3A_50 : memref<100000x1000xf32, #tpu.memory_space<hbm>>) dst(%arg10 : memref<64x1000xf32, #tpu.memory_space<vmem>>)
    %add3A_51 = arith.constant 64 : i32
    %add3A_52 = arith.addi %mul3A_2, %add3A_51 : i32
    "tpu.region"() ({
      %run_scoped3A = tpu.sem_alloc : memref<!tpu.dma_semaphore, #tpu.memory_space<semaphore_mem>>
      %dma_start3A_53 = arith.constant 0 : i32
      %dma_start3A_54 = tpu.memref_slice %arg6[%add3A_52, %dma_start3A_53] : memref<4096x1000xf32, #tpu.memory_space<hbm>> -> memref<64x1000xf32, #tpu.memory_space<hbm>>
      %dma_start3A_55 = arith.constant 0 : i32
      %dma_start3A_56 = tpu.memref_slice %arg6[%add3A_52, %dma_start3A_55] : memref<4096x1000xf32, #tpu.memory_space<hbm>> -> memref<64x1000xf32, #tpu.memory_space<hbm>>
      tpu.enqueue_dma source(%arg10 : memref<64x1000xf32, #tpu.memory_space<vmem>>) target(%dma_start3A_56 : memref<64x1000xf32, #tpu.memory_space<hbm>>) target_semaphore(%run_scoped3A : memref<!tpu.dma_semaphore, #tpu.memory_space<semaphore_mem>>)
      %dma_wait3A_57 = arith.constant 0 : i32
      %dma_wait3A_58 = tpu.memref_slice %arg6[%add3A_52, %dma_wait3A_57] : memref<4096x1000xf32, #tpu.memory_space<hbm>> -> memref<64x1000xf32, #tpu.memory_space<hbm>>
      %dma_wait3A_59 = arith.constant 0 : i32
      %dma_wait3A_60 = tpu.memref_slice %arg6[%add3A_52, %dma_wait3A_59] : memref<4096x1000xf32, #tpu.memory_space<hbm>> -> memref<64x1000xf32, #tpu.memory_space<hbm>>
      tpu.wait_dma2 semaphore(%run_scoped3A : memref<!tpu.dma_semaphore, #tpu.memory_space<semaphore_mem>>) src(%arg10 : memref<64x1000xf32, #tpu.memory_space<vmem>>) dst(%dma_wait3A_60 : memref<64x1000xf32, #tpu.memory_space<hbm>>)
      tpu.yield
    }) : () -> ()
    return
  }
}

module attributes {stable_mosaic.version = 14 : i64} {
  func.func @_tc_body(%arg0: i32, %arg1: memref<256x1000xf32, #tpu.memory_space<vmem>>, %arg2: memref<256x1000xf32, #tpu.memory_space<vmem>>, %arg3: memref<256x1000xf32, #tpu.memory_space<vmem>>, %arg4: memref<256x1000xf32, #tpu.memory_space<vmem>>, %arg5: memref<256x1000xf32, #tpu.memory_space<vmem>>, %arg6: memref<1x128xf32, #tpu.memory_space<vmem>>) attributes {dimension_semantics = [#tpu.dimension_semantics<arbitrary>], iteration_bounds = array<i64: 16>, scalar_prefetch = 0 : i64, scratch_operands = 0 : i64, tpu.core_type = #tpu.core_type<tc>, window_params = [{transform_indices = @transform_0, window_bounds = array<i64: 256, 1000>}, {transform_indices = @transform_1, window_bounds = array<i64: 256, 1000>}, {transform_indices = @transform_2, window_bounds = array<i64: 256, 1000>}, {transform_indices = @transform_3, window_bounds = array<i64: 256, 1000>}, {transform_indices = @transform_4, window_bounds = array<i64: 256, 1000>}, {pipeline_mode = #tpu.pipeline_mode<synchronous>, transform_indices = @transform_5, window_bounds = array<i64: 1, 128>}]} {
    %get3A = arith.constant 0 : index
    %get3A_0 = arith.constant 0 : index
    %get3A_1 = vector.load %arg1[%get3A, %get3A_0] : memref<256x1000xf32, #tpu.memory_space<vmem>>, vector<256x1000xf32>
    %reduce_max3A = arith.constant dense<0xFF800000> : vector<256xf32>
    %reduce_max3A_2 = vector.multi_reduction <maximumf>, %get3A_1, %reduce_max3A [1] : vector<256x1000xf32> to vector<256xf32>
    %broadcast_in_dim3A = vector.shape_cast %reduce_max3A_2 : vector<256xf32> to vector<256x1xf32>
    %sub3A = vector.broadcast %broadcast_in_dim3A : vector<256x1xf32> to vector<256x1000xf32>
    %sub3A_3 = arith.subf %get3A_1, %sub3A : vector<256x1000xf32>
    %sub3A_4 = vector.broadcast %broadcast_in_dim3A : vector<256x1xf32> to vector<256x1000xf32>
    %sub3A_5 = arith.subf %get3A_1, %sub3A_4 : vector<256x1000xf32>
    %exp3A = math.exp %sub3A_5 : vector<256x1000xf32>
    %reduce_sum3A = arith.constant dense<0.000000e+00> : vector<256xf32>
    %reduce_sum3A_6 = vector.multi_reduction <add>, %exp3A, %reduce_sum3A [1] : vector<256x1000xf32> to vector<256xf32>
    %broadcast_in_dim3A_7 = vector.shape_cast %reduce_sum3A_6 : vector<256xf32> to vector<256x1xf32>
    %log3A = math.log %broadcast_in_dim3A_7 : vector<256x1xf32>
    %sub3A_8 = vector.broadcast %log3A : vector<256x1xf32> to vector<256x1000xf32>
    %sub3A_9 = arith.subf %sub3A_3, %sub3A_8 : vector<256x1000xf32>
    %get3A_10 = arith.constant 0 : index
    %get3A_11 = arith.constant 0 : index
    %get3A_12 = vector.load %arg2[%get3A_10, %get3A_11] : memref<256x1000xf32, #tpu.memory_space<vmem>>, vector<256x1000xf32>
    %mul3A = arith.constant 3.33333325 : f32
    %mul3A_13 = vector.broadcast %mul3A : f32 to vector<256x1000xf32>
    %mul3A_14 = arith.mulf %get3A_12, %mul3A_13 : vector<256x1000xf32>
    %reduce_max3A_15 = arith.constant dense<0xFF800000> : vector<256xf32>
    %reduce_max3A_16 = vector.multi_reduction <maximumf>, %mul3A_14, %reduce_max3A_15 [1] : vector<256x1000xf32> to vector<256xf32>
    %broadcast_in_dim3A_17 = vector.shape_cast %reduce_max3A_16 : vector<256xf32> to vector<256x1xf32>
    %sub3A_18 = vector.broadcast %broadcast_in_dim3A_17 : vector<256x1xf32> to vector<256x1000xf32>
    %sub3A_19 = arith.subf %mul3A_14, %sub3A_18 : vector<256x1000xf32>
    %sub3A_20 = vector.broadcast %broadcast_in_dim3A_17 : vector<256x1xf32> to vector<256x1000xf32>
    %sub3A_21 = arith.subf %mul3A_14, %sub3A_20 : vector<256x1000xf32>
    %exp3A_22 = math.exp %sub3A_21 : vector<256x1000xf32>
    %reduce_sum3A_23 = arith.constant dense<0.000000e+00> : vector<256xf32>
    %reduce_sum3A_24 = vector.multi_reduction <add>, %exp3A_22, %reduce_sum3A_23 [1] : vector<256x1000xf32> to vector<256xf32>
    %broadcast_in_dim3A_25 = vector.shape_cast %reduce_sum3A_24 : vector<256xf32> to vector<256x1xf32>
    %log3A_26 = math.log %broadcast_in_dim3A_25 : vector<256x1xf32>
    %sub3A_27 = vector.broadcast %log3A_26 : vector<256x1xf32> to vector<256x1000xf32>
    %sub3A_28 = arith.subf %sub3A_19, %sub3A_27 : vector<256x1000xf32>
    %get3A_29 = arith.constant 0 : index
    %get3A_30 = arith.constant 0 : index
    %get3A_31 = vector.load %arg3[%get3A_29, %get3A_30] : memref<256x1000xf32, #tpu.memory_space<vmem>>, vector<256x1000xf32>
    %mul3A_32 = arith.constant 3.33333325 : f32
    %mul3A_33 = vector.broadcast %mul3A_32 : f32 to vector<256x1000xf32>
    %mul3A_34 = arith.mulf %get3A_31, %mul3A_33 : vector<256x1000xf32>
    %reduce_max3A_35 = arith.constant dense<0xFF800000> : vector<256xf32>
    %reduce_max3A_36 = vector.multi_reduction <maximumf>, %mul3A_34, %reduce_max3A_35 [1] : vector<256x1000xf32> to vector<256xf32>
    %broadcast_in_dim3A_37 = vector.shape_cast %reduce_max3A_36 : vector<256xf32> to vector<256x1xf32>
    %sub3A_38 = vector.broadcast %broadcast_in_dim3A_37 : vector<256x1xf32> to vector<256x1000xf32>
    %sub3A_39 = arith.subf %mul3A_34, %sub3A_38 : vector<256x1000xf32>
    %sub3A_40 = vector.broadcast %broadcast_in_dim3A_37 : vector<256x1xf32> to vector<256x1000xf32>
    %sub3A_41 = arith.subf %mul3A_34, %sub3A_40 : vector<256x1000xf32>
    %exp3A_42 = math.exp %sub3A_41 : vector<256x1000xf32>
    %reduce_sum3A_43 = arith.constant dense<0.000000e+00> : vector<256xf32>
    %reduce_sum3A_44 = vector.multi_reduction <add>, %exp3A_42, %reduce_sum3A_43 [1] : vector<256x1000xf32> to vector<256xf32>
    %broadcast_in_dim3A_45 = vector.shape_cast %reduce_sum3A_44 : vector<256xf32> to vector<256x1xf32>
    %log3A_46 = math.log %broadcast_in_dim3A_45 : vector<256x1xf32>
    %sub3A_47 = vector.broadcast %log3A_46 : vector<256x1xf32> to vector<256x1000xf32>
    %sub3A_48 = arith.subf %sub3A_39, %sub3A_47 : vector<256x1000xf32>
    %add3A = arith.addf %sub3A_28, %sub3A_48 : vector<256x1000xf32>
    %get3A_49 = arith.constant 0 : index
    %get3A_50 = arith.constant 0 : index
    %get3A_51 = vector.load %arg4[%get3A_49, %get3A_50] : memref<256x1000xf32, #tpu.memory_space<vmem>>, vector<256x1000xf32>
    %get3A_52 = arith.constant 0 : index
    %get3A_53 = arith.constant 0 : index
    %get3A_54 = vector.load %arg5[%get3A_52, %get3A_53] : memref<256x1000xf32, #tpu.memory_space<vmem>>, vector<256x1000xf32>
    %gt3A = arith.constant 0.000000e+00 : f32
    %gt3A_55 = vector.broadcast %gt3A : f32 to vector<256x1000xf32>
    %gt3A_56 = arith.cmpf ogt, %get3A_51, %gt3A_55 : vector<256x1000xf32>
    %jit3A = arith.constant 1.000000e+00 : f32
    %broadcast_in_dim3A_57 = vector.broadcast %jit3A : f32 to vector<256x1000xf32>
    %select_n3A = arith.select %gt3A_56, %get3A_51, %broadcast_in_dim3A_57 : vector<256x1000xi1>, vector<256x1000xf32>
    %log3A_58 = math.log %select_n3A : vector<256x1000xf32>
    %gt3A_59 = arith.constant 0.000000e+00 : f32
    %gt3A_60 = vector.broadcast %gt3A_59 : f32 to vector<256x1000xf32>
    %gt3A_61 = arith.cmpf ogt, %get3A_54, %gt3A_60 : vector<256x1000xf32>
    %jit3A_62 = arith.constant 1.000000e+00 : f32
    %broadcast_in_dim3A_63 = vector.broadcast %jit3A_62 : f32 to vector<256x1000xf32>
    %select_n3A_64 = arith.select %gt3A_61, %get3A_54, %broadcast_in_dim3A_63 : vector<256x1000xi1>, vector<256x1000xf32>
    %log3A_65 = math.log %select_n3A_64 : vector<256x1000xf32>
    %mul3A_66 = arith.mulf %get3A_51, %sub3A_9 : vector<256x1000xf32>
    %reduce_sum3A_67 = vector.shape_cast %mul3A_66 : vector<256x1000xf32> to vector<1x256x1000xf32>
    %reduce_sum3A_68 = arith.constant dense<0.000000e+00> : vector<1xf32>
    %reduce_sum3A_69 = vector.multi_reduction <add>, %reduce_sum3A_67, %reduce_sum3A_68 [1, 2] : vector<1x256x1000xf32> to vector<1xf32>
    %reduce_sum3A_70 = vector.shape_cast %reduce_sum3A_69 : vector<1xf32> to vector<1x1x1xf32>
    %reduce_sum3A_71 = vector.extract %reduce_sum3A_70[0, 0, 0] : f32 from vector<1x1x1xf32>
    %mul3A_72 = arith.mulf %get3A_51, %add3A : vector<256x1000xf32>
    %reduce_sum3A_73 = vector.shape_cast %mul3A_72 : vector<256x1000xf32> to vector<1x256x1000xf32>
    %reduce_sum3A_74 = arith.constant dense<0.000000e+00> : vector<1xf32>
    %reduce_sum3A_75 = vector.multi_reduction <add>, %reduce_sum3A_73, %reduce_sum3A_74 [1, 2] : vector<1x256x1000xf32> to vector<1xf32>
    %reduce_sum3A_76 = vector.shape_cast %reduce_sum3A_75 : vector<1xf32> to vector<1x1x1xf32>
    %reduce_sum3A_77 = vector.extract %reduce_sum3A_76[0, 0, 0] : f32 from vector<1x1x1xf32>
    %mul3A_78 = arith.mulf %get3A_54, %add3A : vector<256x1000xf32>
    %reduce_sum3A_79 = vector.shape_cast %mul3A_78 : vector<256x1000xf32> to vector<1x256x1000xf32>
    %reduce_sum3A_80 = arith.constant dense<0.000000e+00> : vector<1xf32>
    %reduce_sum3A_81 = vector.multi_reduction <add>, %reduce_sum3A_79, %reduce_sum3A_80 [1, 2] : vector<1x256x1000xf32> to vector<1xf32>
    %reduce_sum3A_82 = vector.shape_cast %reduce_sum3A_81 : vector<1xf32> to vector<1x1x1xf32>
    %reduce_sum3A_83 = vector.extract %reduce_sum3A_82[0, 0, 0] : f32 from vector<1x1x1xf32>
    %mul3A_84 = arith.mulf %get3A_51, %log3A_58 : vector<256x1000xf32>
    %reduce_sum3A_85 = vector.shape_cast %mul3A_84 : vector<256x1000xf32> to vector<1x256x1000xf32>
    %reduce_sum3A_86 = arith.constant dense<0.000000e+00> : vector<1xf32>
    %reduce_sum3A_87 = vector.multi_reduction <add>, %reduce_sum3A_85, %reduce_sum3A_86 [1, 2] : vector<1x256x1000xf32> to vector<1xf32>
    %reduce_sum3A_88 = vector.shape_cast %reduce_sum3A_87 : vector<1xf32> to vector<1x1x1xf32>
    %reduce_sum3A_89 = vector.extract %reduce_sum3A_88[0, 0, 0] : f32 from vector<1x1x1xf32>
    %mul3A_90 = arith.mulf %get3A_54, %log3A_65 : vector<256x1000xf32>
    %reduce_sum3A_91 = vector.shape_cast %mul3A_90 : vector<256x1000xf32> to vector<1x256x1000xf32>
    %reduce_sum3A_92 = arith.constant dense<0.000000e+00> : vector<1xf32>
    %reduce_sum3A_93 = vector.multi_reduction <add>, %reduce_sum3A_91, %reduce_sum3A_92 [1, 2] : vector<1x256x1000xf32> to vector<1xf32>
    %reduce_sum3A_94 = vector.shape_cast %reduce_sum3A_93 : vector<1xf32> to vector<1x1x1xf32>
    %reduce_sum3A_95 = vector.extract %reduce_sum3A_94[0, 0, 0] : f32 from vector<1x1x1xf32>
    %iota3A = tpu.iota {dimensions = array<i32: 1>} : vector<1x128xi32>
    %eq3A = arith.constant 0 : i32
    %eq3A_96 = vector.broadcast %eq3A : i32 to vector<1x128xi32>
    %eq3A_97 = arith.cmpi eq, %iota3A, %eq3A_96 : vector<1x128xi32>
    %jit3A_98 = arith.constant 0.000000e+00 : f32
    %broadcast_in_dim3A_99 = vector.broadcast %reduce_sum3A_71 : f32 to vector<1x128xf32>
    %broadcast_in_dim3A_100 = vector.broadcast %jit3A_98 : f32 to vector<1x128xf32>
    %select_n3A_101 = arith.select %eq3A_97, %broadcast_in_dim3A_99, %broadcast_in_dim3A_100 : vector<1x128xi1>, vector<1x128xf32>
    %eq3A_102 = arith.constant 1 : i32
    %eq3A_103 = vector.broadcast %eq3A_102 : i32 to vector<1x128xi32>
    %eq3A_104 = arith.cmpi eq, %iota3A, %eq3A_103 : vector<1x128xi32>
    %jit3A_105 = arith.constant 0.000000e+00 : f32
    %broadcast_in_dim3A_106 = vector.broadcast %reduce_sum3A_77 : f32 to vector<1x128xf32>
    %broadcast_in_dim3A_107 = vector.broadcast %jit3A_105 : f32 to vector<1x128xf32>
    %select_n3A_108 = arith.select %eq3A_104, %broadcast_in_dim3A_106, %broadcast_in_dim3A_107 : vector<1x128xi1>, vector<1x128xf32>
    %add3A_109 = arith.addf %select_n3A_101, %select_n3A_108 : vector<1x128xf32>
    %eq3A_110 = arith.constant 2 : i32
    %eq3A_111 = vector.broadcast %eq3A_110 : i32 to vector<1x128xi32>
    %eq3A_112 = arith.cmpi eq, %iota3A, %eq3A_111 : vector<1x128xi32>
    %jit3A_113 = arith.constant 0.000000e+00 : f32
    %broadcast_in_dim3A_114 = vector.broadcast %reduce_sum3A_83 : f32 to vector<1x128xf32>
    %broadcast_in_dim3A_115 = vector.broadcast %jit3A_113 : f32 to vector<1x128xf32>
    %select_n3A_116 = arith.select %eq3A_112, %broadcast_in_dim3A_114, %broadcast_in_dim3A_115 : vector<1x128xi1>, vector<1x128xf32>
    %add3A_117 = arith.addf %add3A_109, %select_n3A_116 : vector<1x128xf32>
    %eq3A_118 = arith.constant 3 : i32
    %eq3A_119 = vector.broadcast %eq3A_118 : i32 to vector<1x128xi32>
    %eq3A_120 = arith.cmpi eq, %iota3A, %eq3A_119 : vector<1x128xi32>
    %jit3A_121 = arith.constant 0.000000e+00 : f32
    %broadcast_in_dim3A_122 = vector.broadcast %reduce_sum3A_89 : f32 to vector<1x128xf32>
    %broadcast_in_dim3A_123 = vector.broadcast %jit3A_121 : f32 to vector<1x128xf32>
    %select_n3A_124 = arith.select %eq3A_120, %broadcast_in_dim3A_122, %broadcast_in_dim3A_123 : vector<1x128xi1>, vector<1x128xf32>
    %add3A_125 = arith.addf %add3A_117, %select_n3A_124 : vector<1x128xf32>
    %eq3A_126 = arith.constant 4 : i32
    %eq3A_127 = vector.broadcast %eq3A_126 : i32 to vector<1x128xi32>
    %eq3A_128 = arith.cmpi eq, %iota3A, %eq3A_127 : vector<1x128xi32>
    %jit3A_129 = arith.constant 0.000000e+00 : f32
    %broadcast_in_dim3A_130 = vector.broadcast %reduce_sum3A_95 : f32 to vector<1x128xf32>
    %broadcast_in_dim3A_131 = vector.broadcast %jit3A_129 : f32 to vector<1x128xf32>
    %select_n3A_132 = arith.select %eq3A_128, %broadcast_in_dim3A_130, %broadcast_in_dim3A_131 : vector<1x128xi1>, vector<1x128xf32>
    %add3A_133 = arith.addf %add3A_125, %select_n3A_132 : vector<1x128xf32>
    %eq3A_134 = arith.constant 0 : i32
    %eq3A_135 = arith.cmpi eq, %arg0, %eq3A_134 : i32
    %convert_element_type3A = arith.extui %eq3A_135 : i1 to i32
    %cond3A = arith.constant 0 : i32
    %cond3A_136 = arith.cmpi ne, %convert_element_type3A, %cond3A : i32
    scf.if %cond3A_136 {
      %broadcast_in_dim3A_143 = arith.constant 0.000000e+00 : f32
      %broadcast_in_dim3A_144 = vector.broadcast %broadcast_in_dim3A_143 : f32 to vector<1x128xf32>
      %swap3A_145 = arith.constant 0 : index
      %swap3A_146 = arith.constant 0 : index
      %swap3A_147 = vector.load %arg6[%swap3A_145, %swap3A_146] : memref<1x128xf32, #tpu.memory_space<vmem>>, vector<1x128xf32>
      tpu.vector_store %arg6[%swap3A_145, %swap3A_146], %broadcast_in_dim3A_144 {strides = array<i32>} : memref<1x128xf32, #tpu.memory_space<vmem>>, vector<1x128xf32>,
    } else {
    }
    %get3A_137 = arith.constant 0 : index
    %get3A_138 = arith.constant 0 : index
    %get3A_139 = vector.load %arg6[%get3A_137, %get3A_138] : memref<1x128xf32, #tpu.memory_space<vmem>>, vector<1x128xf32>
    %add3A_140 = arith.addf %get3A_139, %add3A_133 : vector<1x128xf32>
    %swap3A = arith.constant 0 : index
    %swap3A_141 = arith.constant 0 : index
    %swap3A_142 = vector.load %arg6[%swap3A, %swap3A_141] : memref<1x128xf32, #tpu.memory_space<vmem>>, vector<1x128xf32>
    tpu.vector_store %arg6[%swap3A, %swap3A_141], %add3A_140 {strides = array<i32>} : memref<1x128xf32, #tpu.memory_space<vmem>>, vector<1x128xf32>,
    return
  }
  func.func @transform_0(%arg0: i32) -> (i32, i32) {
    %c0_i32 = arith.constant 0 : i32
    %c0_i32_0 = arith.constant 0 : i32
    return %arg0, %c0_i32 : i32, i32
  }
  func.func @transform_1(%arg0: i32) -> (i32, i32) {
    %c0_i32 = arith.constant 0 : i32
    %c0_i32_0 = arith.constant 0 : i32
    return %arg0, %c0_i32 : i32, i32
  }
  func.func @transform_2(%arg0: i32) -> (i32, i32) {
    %c0_i32 = arith.constant 0 : i32
    %c0_i32_0 = arith.constant 0 : i32
    return %arg0, %c0_i32 : i32, i32
  }
  func.func @transform_3(%arg0: i32) -> (i32, i32) {
    %c0_i32 = arith.constant 0 : i32
    %c0_i32_0 = arith.constant 0 : i32
    return %arg0, %c0_i32 : i32, i32
  }
  func.func @transform_4(%arg0: i32) -> (i32, i32) {
    %c0_i32 = arith.constant 0 : i32
    %c0_i32_0 = arith.constant 0 : i32
    return %arg0, %c0_i32 : i32, i32
  }
  func.func @transform_5(%arg0: i32) -> (i32, i32) {
    %c0_i32 = arith.constant 0 : i32
    %c0_i32_0 = arith.constant 0 : i32
    %c0_i32_1 = arith.constant 0 : i32
    return %c0_i32, %c0_i32_0 : i32, i32
  }
}

</mosaic_0001>

<sc_bundles>
// kernel: kernel.4.cloned.1.call-start
scs
__scs_entry_jumppad:
0x0: {  	(pc) =	sbr.rel $0x88, $3  }
0x1: {  	(tag) =	ssettag $0x0;
	lr =	simm.s32 $0x1  }
0x2: {  	[smem:$0x3F9A] =	sst lr;
	_ =	strace $0xD0000000  }
0x3: {  	_ = 	snop  }
0x4: {  	_ = 	snop  }
0x5: {  	_ = 	snop  }
0x6: {  	_ = 	snop  }
0x7: {  	_ = 	snop  }
__scs_overlays_trampoline_lowered:
0x8: {  	[smem:$0x3FA9] =	sst s0  }
0x9: {  	[smem:$0x3FAA] =	sst s1  }
0xa: {  	[smem:$0x3FAB] =	sst s2  }
0xb: {  	[smem:$0x3FAC] =	sst s3  }
0xc: {  	[smem:$0x3FAD] =	sst s4  }
0xd: {  	[smem:$0x3FAE] =	sst s5  }
0xe: {  	[smem:$0x3FAF] =	sst s6  }
0xf: {  	[smem:$0x3FB0] =	sst s7  }
0x10: {  	[smem:$0x3FB1] =	sst s8  }
0x11: {  	[smem:$0x3FB2] =	sst s9;
	s0 =	simm.s32 @!p0 $0x0  }
0x12: {  	s1 =	sld [smem:$0x3F98];
	s0 =	simm.s32 @p0 $0x1  }
0x13: {  	[smem:$0x3FB3] =	sst s0;
	s0 =	simm.s32 @!p1 $0x0  }
0x14: {  	s2 =	sld [smem:$0x3F97];
	s0 =	simm.s32 @p1 $0x1  }
0x15: {  	[smem:$0x3FB4] =	sst s0;
	s0 =	simm.s32 @!p2 $0x0  }
0x16: {  	s3 =	sld [smem:$0x3FDB];
	s0 =	simm.s32 @p2 $0x1  }
0x17: {  	s4 =	simm.s32 $0x1BF5;
	[smem:$0x3FB6] =	sst s0  }
0x18: {  	s0 =	sld [smem:$0x3F99];
	_ =	swait.ge [sflag:s4], $0x0  }
0x19: {  	s7 =	sld [smem:$0x3F9A]  }
0x1a: {  	s8 =	sadd.s32 $0xFFFFE003, lr  }
0x1b: {  	s9 =	sadd.s32 $0xFFFFFEF7, lr;
	s5 =	simm.s32 $0xFFFFFFFF;
	p2 =	slt.u32 s8, $0xFFFFF086  }
0x1c: {  	p1 =	slt.u32 s9, $0xF7A;
	s5 =	simm.s32 @!p2 $0x0  }
0x1d: {  	s5 =	simm.s32 @p1 $0x1;
	p0 =	seq.s32 s7, s2  }
0x1e: {  	s7 =	smul.u32 @!p0 $0xF7A, s2;
	p2 =	seq.s32 @!p0 s5, $0x0  }
0x1f: {  	s9 =	smul.u32 $0xF7A, s1;
	s8 =	simm.s32 @!p0 $0x1BF5;
	p2 =	por !p2, p0  }
0x20: {  	[sflag:s8] =	ssyncset.s32 @!p0 $0xFFFFF086;
	s6 =	sadd.s32 @!p0 s3, s7;
	s7 =	simm.s32 @!p0 $0x108  }
0x21: {  	s3 =	sadd.s32 s3, s9;
	s6 =	sadd.s32 @!p0 $0x88, s6;
	s7 =	simm.s32 @p2 $0x1082  }
0x22: {  	[simem:s7], [sflag:s8] =	dma.local @!p0 [hbm:s6], $0xF7A  }
0x23: {  	s9 =	sor.u32 $0xD0000000, s2;
	s6 =	simm.s32 $0x108;
	_ =	swait.ge @!p0 [sflag:s8], $0x0  }
0x24: {  	s3 =	sadd.s32 $0x88, s3;
	s6 =	simm.s32 @!p1 $0x1082;
	[sflag:s4] =	ssyncset.s32 $0xFFFFF086  }
0x25: {  	[simem:s6], [sflag:s4] =	dma.local [hbm:s3], $0xF7A  }
0x26: {  	[smem:$0x3F9A] =	sst s1;
	(tag) =	ssettag s2;
	_ =	strace s9  }
0x27: {  	s1 =	sld [smem:$0x3FAA]  }
0x28: {  	s2 =	sld [smem:$0x3FAB]  }
0x29: {  	s4 =	sld [smem:$0x3FAD]  }
0x2a: {  	p0 =	seq.s32 s5, $0x0;
	s5 =	sld [smem:$0x3FAE]  }
0x2b: {  	s6 =	sld [smem:$0x3FAF]  }
0x2c: {  	s7 =	sld [smem:$0x3FB0]  }
0x2d: {  	s3 =	simm.s32 $0x108;
	s8 =	sld [smem:$0x3FB1]  }
0x2e: {  	s3 =	simm.s32 @!p0 $0x1082;
	s9 =	sld [smem:$0x3FB2]  }
0x2f: {  	lr =	sadd.s32 s0, s3;
	s0 =	sld [smem:$0x3FA9]  }
0x30: {  	s3 =	sld [smem:$0x3FAC]  }
0x31: {  	[smem:$0x3FB5] =	sst s10  }
0x32: {  	s10 =	sld [smem:$0x3FB3];
	_ =	sdelay $0x3  }
0x33: {  	p0 =	seq.s32 s10, $0x1;
	s10 =	sld [smem:$0x3FB5];
	_ =	sdelay $0x3  }
0x34: {  	[smem:$0x3FB5] =	sst s10  }
0x35: {  	s10 =	sld [smem:$0x3FB4];
	_ =	sdelay $0x3  }
0x36: {  	p1 =	seq.s32 s10, $0x1;
	s10 =	sld [smem:$0x3FB5];
	_ =	sdelay $0x3  }
0x37: {  	[smem:$0x3FB5] =	sst s10  }
0x38: {  	s10 =	sld [smem:$0x3FB6]  }
0x39: {  	_ = 	snop;
	(pc) =	sbr.ind lr, $3  }
0x3a: {  	_ = 	snop  }
0x3b: {  	_ = 	snop  }
0x3c: {  	p2 =	seq.s32 s10, $0x1;
	s10 =	sld [smem:$0x3FB5]  }
0x3d: {  	_ =	shalt  }
0x3e: {  	_ =	shalt  }
0x3f: {  	_ =	shalt  }
0x40: {  	_ =	shalt  }
0x41: {  	_ =	shalt  }
0x42: {  	_ =	shalt  }
0x43: {  	_ =	shalt  }
0x44: {  	_ =	shalt  }
0x45: {  	_ =	shalt  }
0x46: {  	_ =	shalt  }
0x47: {  	_ =	shalt  }
0x48: {  	_ =	shalt  }
0x49: {  	_ =	shalt  }
0x4a: {  	_ =	shalt  }
0x4b: {  	_ =	shalt  }
0x4c: {  	_ =	shalt  }
0x4d: {  	_ =	shalt  }
0x4e: {  	_ =	shalt  }
0x4f: {  	_ =	shalt  }
0x50: {  	_ =	shalt  }
0x51: {  	_ =	shalt  }
0x52: {  	_ =	shalt  }
0x53: {  	_ =	shalt  }
0x54: {  	_ =	shalt  }
0x55: {  	_ =	shalt  }
0x56: {  	_ =	shalt  }
0x57: {  	_ =	shalt  }
0x58: {  	_ =	shalt  }
0x59: {  	_ =	shalt  }
0x5a: {  	_ =	shalt  }
0x5b: {  	_ =	shalt  }
0x5c: {  	_ =	shalt  }
0x5d: {  	_ =	shalt  }
0x5e: {  	_ =	shalt  }
0x5f: {  	_ =	shalt  }
0x60: {  	_ =	shalt  }
0x61: {  	_ =	shalt  }
0x62: {  	_ =	shalt  }
0x63: {  	_ =	shalt  }
0x64: {  	_ =	shalt  }
0x65: {  	_ =	shalt  }
0x66: {  	_ =	shalt  }
0x67: {  	_ =	shalt  }
0x68: {  	_ =	shalt  }
0x69: {  	_ =	shalt  }
0x6a: {  	_ =	shalt  }
0x6b: {  	_ =	shalt  }
0x6c: {  	_ =	shalt  }
0x6d: {  	_ =	shalt  }
0x6e: {  	_ =	shalt  }
0x6f: {  	_ =	shalt  }
0x70: {  	_ =	shalt  }
0x71: {  	_ =	shalt  }
0x72: {  	_ =	shalt  }
0x73: {  	_ =	shalt  }
0x74: {  	_ =	shalt  }
0x75: {  	_ =	shalt  }
0x76: {  	_ =	shalt  }
0x77: {  	_ =	shalt  }
0x78: {  	_ =	shalt  }
0x79: {  	_ =	shalt  }
0x7a: {  	_ =	shalt  }
0x7b: {  	_ =	shalt  }
0x7c: {  	_ =	shalt  }
0x7d: {  	_ =	shalt  }
0x7e: {  	_ =	shalt  }
0x7f: {  	_ =	shalt  }
0x80: {  	_ =	shalt  }
0x81: {  	_ =	shalt  }
0x82: {  	_ =	shalt  }
0x83: {  	_ =	shalt  }
0x84: {  	_ =	shalt  }
0x85: {  	_ =	shalt  }
0x86: {  	_ =	shalt  }
0x87: {  	_ =	shalt  }
.Lfunc_end0:
.L_simem_size_0:
called_computation_lowered:
.L_overlay_start_0:
0x88: {  	s2 =	sld [smem:$0x3FD9]  }
0x89: {  	s3 =	sld [smem:$0x3FFE];
	_ =	sdelay $0x1  }
0x8a: {  	s1 =	srdreg.scid  }
0x8b: {  	s0 =	sand.u32 $0x1, s1  }
0x8c: {  	s17 =	sshll.u32 s0, $0xA;
	s2 =	sadd.s32 s3, s2  }
0x8d: {  	s2 =	sadd.s32 s2, s17  }
0x8e: {  	[smem:$0x3FC1] =	sst s2  }
0x8f: {  	_ = 	snop  }
0x90: {  	s2 =	sld [smem:$0x3FC5]  }
0x91: {  	s18 =	sld [smem:$0x3FC3];
	(tm) =	ssettm $0x1  }
0x92: {  	s4 =	sld [smem:$0x3FFB];
	_ =	sdelay $0x3  }
0x93: {  	_ =	strace s4  }
0x94: {  	s4 =	sld [smem:$0x3FFC];
	_ =	sdelay $0x3  }
0x95: {  	_ =	strace s4  }
0x96: {  	s4 =	sld [smem:$0x3FFD];
	_ =	sdelay $0x3  }
0x97: {  	_ =	strace s4  }
0x98: {  	_ =	strace $0x8FFFFFFF  }
0x99: {  	s19 =	sld [smem:$0x3FDB];
	_ =	sdelay $0x1  }
0x9a: {  	s5 =	simm.s32 $_scs_section_size  }
0x9b: {  	s6 =	simm.s32 $_size__tile_overlayer_lowered;
	s7 =	simm.s32 $_tile_overlayer_lowered  }
0x9c: {  	s22 =	simm.s32 $0x1BFF;
	s21 =	sshll.u32 s7, $0x1;
	s4 =	sadd.s32 s5, s19  }
0x9d: {  	s8 =	simm.s32 $0x0;
	s20 =	sshll.u32 s6, $0x1;
	s6 =	sadd.s32 s21, s4  }
0x9e: {  	[timem:s8], [sflag:s22] =	dma.local [hbm:s6], s20  }
0x9f: {  	_ =	swait.ge [sflag:s22], s20  }
0xa0: {  	s5 =	ssub.s32 $0x0, s20;
	[sflag:s22] =	ssyncset.done $0x0  }
0xa1: {  	[sflag:s22] =	ssyncadd.s32 s5;
	_ =	sdelay $0x1  }
0xa2: {  	s23 =	simm.s32 $0x1B8B  }
0xa3: {  	_ =	swait.ge [sflag:s23], $0x1  }
0xa4: {  	[sflag:s23] =	ssyncset.done $0x0  }
0xa5: {  	s25 =	simm.s32 $0x1B8E;
	s24 =	sld [smem:$0x3FFE];
	[sflag:s23] =	ssyncadd.s32 $0xFFFFFFFF  }
0xa6: {  	s26 =	simm.s32 $execute0_lowered;
	[smem:$0x3FD2] =	sst s25  }
0xa7: {  	s6 =	sshll.u32 s26, $0x1;
	_ =	strace $0x80000046;
	[dreg:$0x1] =	wrdreg $0xFFFFFFFF  }
0xa8: {  	s28 =	simm.s32 $_size_execute0_lowered;
	s4 =	sadd.s32 s4, s6;
	[dreg:$0x0] =	wrdreg $0x0  }
0xa9: {  	s6 =	sshll.u32 s28, $0x1;
	[dreg:$0x2] =	wrdreg s4  }
0xaa: {  	[dreg:$0x3] =	wrdreg s6  }
0xab: {  	[dreg:$0x4] =	wrdreg $0xC0  }
0xac: {  	_ =	task [dreg:s8], $0x5FFFF  }
0xad: {  	[dreg:$0x1] =	wrdreg $0xFFFFFFFF  }
0xae: {  	[dreg:$0x0] =	wrdreg $0x60  }
0xaf: {  	[dreg:$0x2] =	wrdreg s24  }
0xb0: {  	[dreg:$0x3] =	wrdreg s18  }
0xb1: {  	[dreg:$0x4] =	wrdreg s2  }
0xb2: {  	[dreg:$0x5] =	wrdreg $0x9  }
0xb3: {  	_ =	task.clear_ibuf [dreg:s8], $0x6FFFF;
	_ =	strace $0x90000046  }
0xb4: {  	s29 =	simm.s32 $0x9;
	_ =	strace $0x80000048  }
0xb5: {  	_ =	swait.ge [sflag:s29], $0x1  }
0xb6: {  	[sflag:s29] =	ssyncadd.s32 $0xFFFFFFFF  }
0xb7: {  	_ =	strace $0x90000048  }
0xb8: {  	_ =	sfence  }
0xb9: {  	s30 =	sld [smem:$0x0];
	_ =	sdelay $0x2  }
0xba: {  	s31 =	sshll.u32 s1, $0xD;
	s1 =	sshrl.u32 s1, $0x2  }
0xbb: {  	s3 =	sand.u32 $0x4000, s31;
	s1 =	sadd.s32 s1, s30  }
0xbc: {  	s0 =	sor.u32 s3, s0;
	s1 =	sshll.u32 s1, $0x11  }
0xbd: {  	s0 =	sor.u32 s1, s0  }
0xbe: {  	s0 =	sadd.s32 $0x8F2B, s0  }
0xbf: {  	[sflag:s0] =	ssyncadd.remote.s32 $0x1  }
0xc0: {  	_ =	sfence.sel $0xFFFF  }
0xc1: {  	[dreg:$0x0] =	wrdreg $0xFFFFFFFF;
	(pc) =	sbr.abs _section_cstart, $3  }
0xc2: {  	[dreg:$0x1] =	wrdreg $0xFFFFFFFF  }
0xc3: {  	_ =	task.clear_ibuf [dreg:s8], $0x2FFFF;
	_ =	strace $0x9FFFFFFF  }
0xc4: {  	(tm) =	ssettm $0x7FFFFFFF  }
0xc5: {  	_ =	shalt  }
tec
execute0_lowered:
.L_overlay_start_1:
0x0: {  	(tag) =	ssettag $0x1  }
0x1: {  	s17 =	rddreg [dreg:$0x0]  }
0x2: {  	s1 =	rddreg [dreg:$0x1]  }
0x3: {  	s6 =	rddreg [dreg:$0x2]  }
0x4: {  	s0 =	rddreg [dreg:$0x3]  }
0x5: {  	s3 =	simm.s32 $0x0;
	s4 =	srdreg.scid;
	s2 =	stileid.u32  }
0x6: {  	[smem:$0x7FF] =	sst s3;
	s18 =	sand.u32 $0x1, s4;
	s5 =	sshll.u32 s2, $0x8  }
0x7: {  	s4 =	simm.s32 $0x2;
	_ =	strace $0x80000047;
	s7 =	sshll.u32 s18, $0x7  }
0x8: {  	[tilespmem:s3], [sflag:$0x2] =	stream.linear.gather [hbm4b:s1+s3], $0x1000, $0x38;
	[tilespmem:$0x10B00] =	vst v63  }
0x9: {  	s5 =	sor.u32 s7, s5;
	_ =	swait.ge [sflag:s4], $0x1000  }
0xa: {  	s7 =	sshrl.u32 s5, $0x3;
	[sflag:s4] =	ssyncset.done $0x0  }
0xb: {  	s6 =	sadd.s32 s6, s7;
	s7 =	simm.s32 $0x1000;
	[sflag:s4] =	ssyncadd.s32 $0xFFFFF000  }
0xc: {  	[tilespmem:s7], [sflag:$0x2] =	stream.linear.gather [hbm4b:s6+s3], $0x80, $0x38;
	[tilespmem:$0x10B00] =	vst v63  }
0xd: {  	_ =	swait.ge [sflag:s4], $0x80  }
0xe: {  	s8 =	simm.s32 $0x80;
	[sflag:s4] =	ssyncset.done $0x0  }
0xf: {  	s9 =	simm.s32 $0x1080;
	s10 =	simm.s32 $0x1;
	[sflag:s4] =	ssyncadd.s32 $0xFFFFFF80  }
0x10: {  	[tilespmem:s9], [sflag:$0x1] =	stream.indirect.gather [hbm4b:s1+s8], $0x1, s7, s8, $0xb8;
	[tilespmem:$0x10B00] =	vst v63  }
0x11: {  	_ =	swait.ge [sflag:s10], $0x80  }
0x12: {  	s12 =	simm.s32 $0x40;
	[sflag:s10] =	ssyncset.done $0x0  }
0x13: {  	s13 =	simm.s32 $0x1100;
	s11 =	sadd.s32 $0xC36000, s17;
	[sflag:s10] =	ssyncadd.s32 $0xFFFFFF80  }
0x14: {  	[tilespmem:s13], [sflag:$0x1] =	stream.indirect.gather [hbm4b:s11+s12], $0x3E8, s5, s12, $0xb8;
	[tilespmem:$0x10B00] =	vst v63  }
0x15: {  	s19 =	smul.u32 $0x7D, s5;
	_ =	swait.ge [sflag:s10], $0xFA00  }
0x16: {  	s16 =	sadd.s32 $0x7E000, s17;
	[sflag:s10] =	ssyncset.done $0x0  }
0x17: {  	s14 =	sadd.s32 s16, s19;
	[sflag:s10] =	ssyncadd.s32 $0xFFFF0600  }
0x18: {  	[hbm4b:s14+s3] =	stream.linear.scatter [tilespmem:s13], [sflag:$0x2], $0xFA00, $0x38;
	[tilespmem:$0x10B00] =	vst v63  }
0x19: {  	_ =	swait.ge [sflag:s4], $0xFA00  }
0x1a: {  	[sflag:s4] =	ssyncset.done $0x0  }
0x1b: {  	s15 =	sor.u32 $0x40, s5;
	[sflag:s4] =	ssyncadd.s32 $0xFFFF0600  }
0x1c: {  	[tilespmem:s13], [sflag:$0x1] =	stream.indirect.gather [hbm4b:s11+s12], $0x3E8, s15, s12, $0xb8;
	[tilespmem:$0x10B00] =	vst v63  }
0x1d: {  	s20 =	smul.u32 $0x7D, s15;
	_ =	swait.ge [sflag:s10], $0xFA00  }
0x1e: {  	[sflag:s10] =	ssyncset.done $0x0  }
0x1f: {  	s16 =	sadd.s32 s16, s20;
	[sflag:s10] =	ssyncadd.s32 $0xFFFF0600  }
0x20: {  	[hbm4b:s16+s3] =	stream.linear.scatter [tilespmem:s13], [sflag:$0x2], $0xFA00, $0x38;
	[tilespmem:$0x10B00] =	vst v63  }
0x21: {  	_ =	swait.ge [sflag:s4], $0xFA00  }
0x22: {  	[sflag:s4] =	ssyncset.done $0x0  }
0x23: {  	[sflag:s4] =	ssyncadd.s32 $0xFFFF0600  }
0x24: {  	[tilespmem:s13], [sflag:$0x1] =	stream.indirect.gather [hbm4b:s11+s12], $0x3E8, s9, s12, $0xb8;
	[tilespmem:$0x10B00] =	vst v63  }
0x25: {  	_ =	swait.ge [sflag:s10], $0xFA00  }
0x26: {  	s21 =	sadd.s32 $0x1000, s17;
	[sflag:s10] =	ssyncset.done $0x0  }
0x27: {  	s30 =	ssub.s32 $0x2, s18;
	s17 =	sadd.s32 s21, s19;
	[sflag:s10] =	ssyncadd.s32 $0xFFFF0600  }
0x28: {  	[hbm4b:s17+s3] =	stream.linear.scatter [tilespmem:s13], [sflag:$0x2], $0xFA00, $0x38;
	[tilespmem:$0x10B00] =	vst v63  }
0x29: {  	s22 =	sshrl.u32 s30, $0x1;
	_ =	swait.ge [sflag:s4], $0xFA00  }
0x2a: {  	s22 =	ssub.s32 s30, s22;
	[sflag:s4] =	ssyncset.done $0x0  }
0x2b: {  	s18 =	simm.s32 $0x10C0;
	s31 =	smax.u32 s22, $0x1;
	[sflag:s4] =	ssyncadd.s32 $0xFFFF0600  }
0x2c: {  	[tilespmem:s13], [sflag:$0x1] =	stream.indirect.gather [hbm4b:s11+s12], $0x3E8, s18, s12, $0xb8;
	[tilespmem:$0x10B00] =	vst v63  }
0x2d: {  	p0 =	sne.s32 s31, $0x1;
	_ =	swait.ge [sflag:s10], $0xFA00  }
.Ltmp0:
0x2e: {  	[sflag:s10] =	ssyncset.done $0x0;
	(pc) =	sbr.rel @!p0 .LBB2_2-.Ltmp0, $4  }
0x2f: {  	s19 =	sadd.s32 s21, s20;
	[sflag:s10] =	ssyncadd.s32 $0xFFFF0600  }
0x30: {  	[hbm4b:s19+s3] =	stream.linear.scatter [tilespmem:s13], [sflag:$0x2], $0xFA00, $0x38;
	[tilespmem:$0x10B00] =	vst v63  }
0x31: {  	_ =	swait.ge [sflag:s4], $0xFA00  }
0x32: {  	s20 =	sadd.s32 $0xFFFFFFFF, s31;
	[sflag:s4] =	ssyncset.done $0x0  }
.LBB2_1:
0x33: {  	p0 =	sne.s32 s20, $0x1;
	s20 =	sadd.s32 $0xFFFFFFFF, s20;
	[sflag:s4] =	ssyncadd.s32 $0xFFFF0600  }
0x34: {  	[tilespmem:s3], [sflag:$0x2] =	stream.linear.gather [hbm4b:s1+s3], $0x1000, $0x38;
	[tilespmem:$0x10B00] =	vst v63  }
0x35: {  	_ =	swait.ge [sflag:s4], $0x1000  }
0x36: {  	[sflag:s4] =	ssyncset.done $0x0  }
0x37: {  	[sflag:s4] =	ssyncadd.s32 $0xFFFFF000  }
0x38: {  	[tilespmem:s7], [sflag:$0x2] =	stream.linear.gather [hbm4b:s6+s3], $0x80, $0x38;
	[tilespmem:$0x10B00] =	vst v63  }
0x39: {  	_ =	swait.ge [sflag:s4], $0x80  }
0x3a: {  	[sflag:s4] =	ssyncset.done $0x0  }
0x3b: {  	[sflag:s4] =	ssyncadd.s32 $0xFFFFFF80  }
0x3c: {  	[tilespmem:s9], [sflag:$0x1] =	stream.indirect.gather [hbm4b:s1+s8], $0x1, s7, s8, $0xb8;
	[tilespmem:$0x10B00] =	vst v63  }
0x3d: {  	_ =	swait.ge [sflag:s10], $0x80  }
0x3e: {  	[sflag:s10] =	ssyncset.done $0x0  }
0x3f: {  	[sflag:s10] =	ssyncadd.s32 $0xFFFFFF80  }
0x40: {  	[tilespmem:s13], [sflag:$0x1] =	stream.indirect.gather [hbm4b:s11+s12], $0x3E8, s5, s12, $0xb8;
	[tilespmem:$0x10B00] =	vst v63  }
0x41: {  	_ =	swait.ge [sflag:s10], $0xFA00  }
0x42: {  	[sflag:s10] =	ssyncset.done $0x0  }
0x43: {  	[sflag:s10] =	ssyncadd.s32 $0xFFFF0600  }
0x44: {  	[hbm4b:s14+s3] =	stream.linear.scatter [tilespmem:s13], [sflag:$0x2], $0xFA00, $0x38;
	[tilespmem:$0x10B00] =	vst v63  }
0x45: {  	_ =	swait.ge [sflag:s4], $0xFA00  }
0x46: {  	[sflag:s4] =	ssyncset.done $0x0  }
0x47: {  	[sflag:s4] =	ssyncadd.s32 $0xFFFF0600  }
0x48: {  	[tilespmem:s13], [sflag:$0x1] =	stream.indirect.gather [hbm4b:s11+s12], $0x3E8, s15, s12, $0xb8;
	[tilespmem:$0x10B00] =	vst v63  }
0x49: {  	_ =	swait.ge [sflag:s10], $0xFA00  }
0x4a: {  	[sflag:s10] =	ssyncset.done $0x0  }
0x4b: {  	[sflag:s10] =	ssyncadd.s32 $0xFFFF0600  }
0x4c: {  	[hbm4b:s16+s3] =	stream.linear.scatter [tilespmem:s13], [sflag:$0x2], $0xFA00, $0x38;
	[tilespmem:$0x10B00] =	vst v63  }
0x4d: {  	_ =	swait.ge [sflag:s4], $0xFA00  }
0x4e: {  	[sflag:s4] =	ssyncset.done $0x0  }
0x4f: {  	[sflag:s4] =	ssyncadd.s32 $0xFFFF0600  }
0x50: {  	[tilespmem:s13], [sflag:$0x1] =	stream.indirect.gather [hbm4b:s11+s12], $0x3E8, s9, s12, $0xb8;
	[tilespmem:$0x10B00] =	vst v63  }
0x51: {  	_ =	swait.ge [sflag:s10], $0xFA00  }
0x52: {  	[sflag:s10] =	ssyncset.done $0x0  }
0x53: {  	[sflag:s10] =	ssyncadd.s32 $0xFFFF0600  }
0x54: {  	[hbm4b:s17+s3] =	stream.linear.scatter [tilespmem:s13], [sflag:$0x2], $0xFA00, $0x38;
	[tilespmem:$0x10B00] =	vst v63  }
0x55: {  	_ =	swait.ge [sflag:s4], $0xFA00  }
0x56: {  	[sflag:s4] =	ssyncset.done $0x0  }
0x57: {  	[sflag:s4] =	ssyncadd.s32 $0xFFFF0600  }
0x58: {  	[tilespmem:s13], [sflag:$0x1] =	stream.indirect.gather [hbm4b:s11+s12], $0x3E8, s18, s12, $0xb8;
	[tilespmem:$0x10B00] =	vst v63  }
0x59: {  	_ =	swait.ge [sflag:s10], $0xFA00  }
.Ltmp1:
0x5a: {  	[sflag:s10] =	ssyncset.done $0x0;
	(pc) =	sbr.rel @p0 .LBB2_1-.Ltmp1, $4  }
0x5b: {  	[sflag:s10] =	ssyncadd.s32 $0xFFFF0600  }
0x5c: {  	[hbm4b:s19+s3] =	stream.linear.scatter [tilespmem:s13], [sflag:$0x2], $0xFA00, $0x38;
	[tilespmem:$0x10B00] =	vst v63  }
0x5d: {  	_ =	swait.ge [sflag:s4], $0xFA00  }
0x5e: {  	[sflag:s4] =	ssyncset.done $0x0  }
.LBB2_2:
0x5f: {  	[sflag:s4] =	ssyncadd.s32 $0xFFFF0600  }
0x60: {  	_ =	sfence.sel $0x180000  }
0x61: {  	[bflag:$0x0] =	sbarrier.arrive $0xFFFF  }
0x62: {  	p0 =	sne.s32 s2, $0x0;
	_ =	strace $0x90000047  }
0x63: {  	s0 =	sadd.s32 @!p0 $0x100000, s0;
	[bflag:$0x2] =	sbarrier.arrive $0xFFFF  }
0x64: {  	[sflag:s0] =	ssyncadd.tile.s32 @!p0 $0x1;
	_ =	shalt  }
.Lfunc_end2:
_tile_overlayer_lowered:
.L_overlay_start_2:
0x65: {  	(tag) =	ssettag $0x2  }
0x66: {  	s0 =	rddreg [dreg:$0x0];
	s2 =	stileid.u32  }
0x67: {  	s1 =	rddreg [dreg:$0x1];
	p0 =	sne.s32 s2, $0x0  }
0x68: {  	s3 =	rddreg [dreg:$0x2];
	[bflag:$0x3] =	sbarrier.arrive $0xFFFF;
	s2 =	simm.s32 @!p0 $0x1C02  }
0x69: {  	[timem:s3], [sflag:s2] =	dma.local @!p0 [hbm:s0], s1  }
0x6a: {  	s0 =	simm.s32 @!p0 $0x2  }
0x6b: {  	_ =	swait.ge @!p0 [sflag:s0], s1  }
0x6c: {  	s1 =	ssub.s32 @!p0 $0x0, s1;
	[sflag:s0] =	ssyncset.done @!p0 $0x0  }
0x6d: {  	[sflag:s0] =	ssyncadd.s32 @!p0 s1  }
0x6e: {  	[bflag:$0x3] =	sbarrier.arrive $0xFFFF  }
0x6f: {  	_ =	shalt  }

</sc_bundles>
